<compile_context>
chip_gen: v7x
topology: tpu7x:2x2x1
jax: 0.10.2.dev20260603
libtpu: 0.0.44.dev20260713+nightly
codegen_flags: <defaults>
</compile_context>

<pallas_src>
import functools

import jax
import jax.numpy as jnp
from jax import lax
from jax.experimental import pallas as pl
from jax.experimental.pallas import tpu as pltpu
from jax.experimental.pallas import tpu_sc as plsc

_NBUF = 2
_CB = 32


@functools.cache
def _build(B, L, V, D, dtype):
    info = plsc.get_sparse_core_info()
    NC, NS = info.num_cores, info.num_subcores
    NW = NC * NS
    assert B % NW == 0
    rows_per_w = B // NW
    CB = _CB
    while rows_per_w % CB:
        CB //= 2
    n_chunks = rows_per_w // CB

    mesh = plsc.VectorSubcoreMesh(core_axis_name="c", subcore_axis_name="s")

    LP = (L + 7) // 8 * 8

    @functools.partial(
        pl.kernel,
        out_type=jax.ShapeDtypeStruct((B, LP, 128), dtype),
        mesh=mesh,
        scratch_types=[
            pltpu.VMEM((rows_per_w, L), jnp.int32),
            pltpu.VMEM((_NBUF, CB, L, D), dtype),
            pltpu.SemaphoreType.DMA,
            pltpu.SemaphoreType.DMA,
        ],
        compiler_params=pltpu.CompilerParams(use_tc_tiling_on_sc=False),
    )
    def k(x_hbm, table_hbm, out_hbm, idx_v, rows_v, gsem, ssem):
        wid = lax.axis_index("s") * NC + lax.axis_index("c")
        base_b = wid * rows_per_w
        pltpu.sync_copy(x_hbm.at[pl.ds(base_b, rows_per_w)], idx_v)

        def start_gathers(g):
            buf = lax.rem(g, _NBUF)

            def one(j, carry):
                pltpu.async_copy(
                    table_hbm.at[idx_v.at[g * CB + j]],
                    rows_v.at[buf].at[j],
                    gsem,
                )
                return carry

            lax.fori_loop(0, CB, one, 0)

        def wait_gathers():
            pltpu.make_async_copy(
                out_hbm.at[pl.ds(0, CB), pl.ds(0, L), pl.ds(0, D)],
                rows_v.at[0],
                gsem,
            ).wait()

        def start_store(g):
            buf = lax.rem(g, _NBUF)
            pltpu.async_copy(
                rows_v.at[buf],
                out_hbm.at[pl.ds(base_b + g * CB, CB), pl.ds(0, L), pl.ds(0, D)],
                ssem,
            )

        def wait_store():
            pltpu.make_async_copy(
                out_hbm.at[pl.ds(0, CB), pl.ds(0, L), pl.ds(0, D)],
                rows_v.at[0],
                ssem,
            ).wait()

        for b in range(_NBUF):
            start_gathers(b)

        def body(g, carry):
            wait_gathers()
            start_store(g)

            @pl.when(g + _NBUF < n_chunks)
            def _():
                wait_store()
                start_gathers(g + _NBUF)

            return carry

        lax.fori_loop(0, n_chunks, body, 0)
        for _ in range(_NBUF):
            wait_store()

    return k


def kernel(x, table):
    B, L = x.shape
    V, D = table.shape
    outp = _build(B, L, V, D, table.dtype)(x, table)
    return outp[:, :L, :D]

# --- scband reference (transcript-rebuilt; emitter-appended) ---
"""Pipeline reference for scband-token-embedding-11450382811723 (READ-ONLY COPY).

The authoritative reference and input builder live on the scoring server;
editing this copy changes nothing except your own understanding.
"""

import jax, jax.numpy as jnp
import numpy as np

VOCAB = 1000000
DIM = 32
B = 16384
L = 50


def setup_inputs(seed: int = 0) -> dict:
    key = jax.random.key(seed)
    k1, k2 = jax.random.split(key)
    x = jax.random.randint(k1, (B, L), 0, VOCAB, dtype=jnp.int32)
    table = jax.random.normal(k2, (VOCAB, DIM), dtype=jnp.float32)
    # padding_idx=0: nn.Embedding zero-initializes the padding row
    table = table.at[0].set(0.0)
    return {"x": x, "table": table}


def reference(x, table):
    # nn.Embedding forward: row gather from the embedding table
    return jnp.take(table, x, axis=0)

if __name__ == "__main__":
    import jax
    _d = setup_inputs()
    print(jax.jit(kernel)(*tuple(_d.values())))

</pallas_src>

<mosaic_0001>
#map = affine_map<(d0, d1) -> (0, 0)>
#map1 = affine_map<(d0, d1) -> (0, 0, 0)>
module attributes {stable_mosaic.version = 14 : i64} {
  func.func @k(%arg0: i32, %arg1: i32, %arg2: memref<16384x50xi32, #tpu.memory_space<hbm>>, %arg3: memref<1000000x32xf32, #tpu.memory_space<hbm>>, %arg4: memref<16384x56x128xf32, #tpu.memory_space<hbm>>, %arg5: memref<512x50xi32, #tpu.memory_space<vmem>>, %arg6: memref<2x32x50x32xf32, #tpu.memory_space<vmem>>, %arg7: memref<!tpu.dma_semaphore, #tpu.memory_space<semaphore_mem>>, %arg8: memref<!tpu.dma_semaphore, #tpu.memory_space<semaphore_mem>>) attributes {dimension_semantics = [#tpu.dimension_semantics<core_parallel>, #tpu.dimension_semantics<subcore_parallel>], iteration_bounds = array<i64: 2, 16>, scalar_prefetch = 0 : i64, scratch_operands = 4 : i64, tpu.core_type = #tpu.core_type<sc_vector_subcore>, window_params = [{transform_indices = #map}, {transform_indices = #map}, {transform_indices = #map1}]} {
    %mul3A = arith.constant 2 : i32
    %mul3A_0 = arith.muli %arg1, %mul3A : i32
    %add3A = arith.addi %mul3A_0, %arg0 : i32
    %mul3A_1 = arith.constant 512 : i32
    %mul3A_2 = arith.muli %add3A, %mul3A_1 : i32
    "tpu.region"() ({
      %run_scoped3A = tpu.sem_alloc : memref<!tpu.dma_semaphore, #tpu.memory_space<semaphore_mem>>
      %dma_start3A = arith.constant 0 : i32
      %dma_start3A_62 = tpu.memref_slice %arg2[%mul3A_2, %dma_start3A] : memref<16384x50xi32, #tpu.memory_space<hbm>> -> memref<512x50xi32, #tpu.memory_space<hbm>>
      %dma_start3A_63 = arith.constant 0 : i32
      %dma_start3A_64 = tpu.memref_slice %arg2[%mul3A_2, %dma_start3A_63] : memref<16384x50xi32, #tpu.memory_space<hbm>> -> memref<512x50xi32, #tpu.memory_space<hbm>>
      tpu.enqueue_dma source(%dma_start3A_64 : memref<512x50xi32, #tpu.memory_space<hbm>>) target(%arg5 : memref<512x50xi32, #tpu.memory_space<vmem>>) target_semaphore(%run_scoped3A : memref<!tpu.dma_semaphore, #tpu.memory_space<semaphore_mem>>)
      %dma_wait3A_65 = arith.constant 0 : i32
      %dma_wait3A_66 = tpu.memref_slice %arg2[%mul3A_2, %dma_wait3A_65] : memref<16384x50xi32, #tpu.memory_space<hbm>> -> memref<512x50xi32, #tpu.memory_space<hbm>>
      %dma_wait3A_67 = arith.constant 0 : i32
      %dma_wait3A_68 = tpu.memref_slice %arg2[%mul3A_2, %dma_wait3A_67] : memref<16384x50xi32, #tpu.memory_space<hbm>> -> memref<512x50xi32, #tpu.memory_space<hbm>>
      tpu.wait_dma2 semaphore(%run_scoped3A : memref<!tpu.dma_semaphore, #tpu.memory_space<semaphore_mem>>) src(%dma_wait3A_68 : memref<512x50xi32, #tpu.memory_space<hbm>>) dst(%arg5 : memref<512x50xi32, #tpu.memory_space<vmem>>)
      tpu.yield
    }) : () -> ()
    %rem3A = arith.constant 0 : i32
    %rem3A_3 = arith.constant 2 : i32
    %rem3A_4 = arith.remsi %rem3A, %rem3A_3 : i32
    %scan3A = arith.constant 0 : i32
    %scan3A_5 = arith.constant 0 : i32
    %scan3A_6 = arith.constant 32 : i32
    %scan3A_7 = arith.addi %scan3A_5, %scan3A_6 : i32
    %scan3A_8 = arith.constant 1 : i32
    scf.for %scan3A_62 = %scan3A_5 to %scan3A_7 step %scan3A_8  : i32 {
      %add3A_63 = arith.constant 0 : i32
      %add3A_64 = arith.addi %add3A_63, %scan3A_62 : i32
      %dma_start3A = arith.constant 0 : i32
      %dma_start3A_65 = arith.constant 0 : i32
      %dma_start3A_66 = arith.constant 0 : i32
      %dma_start3A_67 = tpu.memref_slice %arg6[%rem3A_4, %dma_start3A, %dma_start3A_65, %dma_start3A_66] : memref<2x32x50x32xf32, #tpu.memory_space<vmem>> -> memref<1x32x50x32xf32, #tpu.memory_space<vmem>>
      %dma_start3A_68 = tpu.memref_squeeze %dma_start3A_67 : memref<1x32x50x32xf32, #tpu.memory_space<vmem>> -> memref<32x50x32xf32, #tpu.memory_space<vmem>>
      %dma_start3A_69 = arith.constant 0 : i32
      %dma_start3A_70 = arith.constant 0 : i32
      %dma_start3A_71 = tpu.memref_slice %dma_start3A_68[%scan3A_62, %dma_start3A_69, %dma_start3A_70] : memref<32x50x32xf32, #tpu.memory_space<vmem>> -> memref<1x50x32xf32, #tpu.memory_space<vmem>>
      %dma_start3A_72 = tpu.memref_squeeze %dma_start3A_71 : memref<1x50x32xf32, #tpu.memory_space<vmem>> -> memref<50x32xf32, #tpu.memory_space<vmem>>
      %dma_start3A_73 = arith.constant 0 : i32
      %dma_start3A_74 = tpu.memref_slice %arg5[%add3A_64, %dma_start3A_73] : memref<512x50xi32, #tpu.memory_space<vmem>> -> memref<1x50xi32, #tpu.memory_space<vmem>>
      %dma_start3A_75 = tpu.memref_squeeze %dma_start3A_74 : memref<1x50xi32, #tpu.memory_space<vmem>> -> memref<50xi32, #tpu.memory_space<vmem>>
      %dma_start3A_76 = arith.constant 0 : i32
      %dma_start3A_77 = arith.constant 0 : i32
      %dma_start3A_78 = tpu.memref_slice %arg3[%dma_start3A_76, %dma_start3A_77] : memref<1000000x32xf32, #tpu.memory_space<hbm>> -> memref<1000000x32xf32, #tpu.memory_space<hbm>>
      tpu.enqueue_indirect_dma source(%dma_start3A_78 : memref<1000000x32xf32, #tpu.memory_space<hbm>>) target(%dma_start3A_72 : memref<50x32xf32, #tpu.memory_space<vmem>>) offsets(%dma_start3A_75 : memref<50xi32, #tpu.memory_space<vmem>>) semaphore(%arg7 : memref<!tpu.dma_semaphore, #tpu.memory_space<semaphore_mem>>)
    }
    %scan3A_9 = arith.constant 32 : i32
    %rem3A_10 = arith.constant 1 : i32
    %rem3A_11 = arith.constant 2 : i32
    %rem3A_12 = arith.remsi %rem3A_10, %rem3A_11 : i32
    %scan3A_13 = arith.constant 0 : i32
    %scan3A_14 = arith.constant 0 : i32
    %scan3A_15 = arith.constant 32 : i32
    %scan3A_16 = arith.addi %scan3A_14, %scan3A_15 : i32
    %scan3A_17 = arith.constant 1 : i32
    scf.for %scan3A_62 = %scan3A_14 to %scan3A_16 step %scan3A_17  : i32 {
      %add3A_63 = arith.constant 32 : i32
      %add3A_64 = arith.addi %add3A_63, %scan3A_62 : i32
      %dma_start3A = arith.constant 0 : i32
      %dma_start3A_65 = arith.constant 0 : i32
      %dma_start3A_66 = arith.constant 0 : i32
      %dma_start3A_67 = tpu.memref_slice %arg6[%rem3A_12, %dma_start3A, %dma_start3A_65, %dma_start3A_66] : memref<2x32x50x32xf32, #tpu.memory_space<vmem>> -> memref<1x32x50x32xf32, #tpu.memory_space<vmem>>
      %dma_start3A_68 = tpu.memref_squeeze %dma_start3A_67 : memref<1x32x50x32xf32, #tpu.memory_space<vmem>> -> memref<32x50x32xf32, #tpu.memory_space<vmem>>
      %dma_start3A_69 = arith.constant 0 : i32
      %dma_start3A_70 = arith.constant 0 : i32
      %dma_start3A_71 = tpu.memref_slice %dma_start3A_68[%scan3A_62, %dma_start3A_69, %dma_start3A_70] : memref<32x50x32xf32, #tpu.memory_space<vmem>> -> memref<1x50x32xf32, #tpu.memory_space<vmem>>
      %dma_start3A_72 = tpu.memref_squeeze %dma_start3A_71 : memref<1x50x32xf32, #tpu.memory_space<vmem>> -> memref<50x32xf32, #tpu.memory_space<vmem>>
      %dma_start3A_73 = arith.constant 0 : i32
      %dma_start3A_74 = tpu.memref_slice %arg5[%add3A_64, %dma_start3A_73] : memref<512x50xi32, #tpu.memory_space<vmem>> -> memref<1x50xi32, #tpu.memory_space<vmem>>
      %dma_start3A_75 = tpu.memref_squeeze %dma_start3A_74 : memref<1x50xi32, #tpu.memory_space<vmem>> -> memref<50xi32, #tpu.memory_space<vmem>>
      %dma_start3A_76 = arith.constant 0 : i32
      %dma_start3A_77 = arith.constant 0 : i32
      %dma_start3A_78 = tpu.memref_slice %arg3[%dma_start3A_76, %dma_start3A_77] : memref<1000000x32xf32, #tpu.memory_space<hbm>> -> memref<1000000x32xf32, #tpu.memory_space<hbm>>
      tpu.enqueue_indirect_dma source(%dma_start3A_78 : memref<1000000x32xf32, #tpu.memory_space<hbm>>) target(%dma_start3A_72 : memref<50x32xf32, #tpu.memory_space<vmem>>) offsets(%dma_start3A_75 : memref<50xi32, #tpu.memory_space<vmem>>) semaphore(%arg7 : memref<!tpu.dma_semaphore, #tpu.memory_space<semaphore_mem>>)
    }
    %scan3A_18 = arith.constant 32 : i32
    %scan3A_19 = arith.constant 0 : i32
    %scan3A_20 = arith.constant 0 : i32
    %scan3A_21 = arith.constant 16 : i32
    %scan3A_22 = arith.addi %scan3A_20, %scan3A_21 : i32
    %scan3A_23 = arith.constant 1 : i32
    scf.for %scan3A_62 = %scan3A_20 to %scan3A_22 step %scan3A_23  : i32 {
      %dma_wait3A_63 = arith.constant 0 : i32
      %dma_wait3A_64 = arith.constant 0 : i32
      %dma_wait3A_65 = arith.constant 0 : i32
      %dma_wait3A_66 = arith.constant 0 : i32
      %dma_wait3A_67 = tpu.memref_slice %arg6[%dma_wait3A_63, %dma_wait3A_64, %dma_wait3A_65, %dma_wait3A_66] : memref<2x32x50x32xf32, #tpu.memory_space<vmem>> -> memref<1x32x50x32xf32, #tpu.memory_space<vmem>>
      %dma_wait3A_68 = tpu.memref_squeeze %dma_wait3A_67 : memref<1x32x50x32xf32, #tpu.memory_space<vmem>> -> memref<32x50x32xf32, #tpu.memory_space<vmem>>
      %dma_wait3A_69 = arith.constant 0 : i32
      %dma_wait3A_70 = arith.constant 0 : i32
      %dma_wait3A_71 = arith.constant 0 : i32
      %dma_wait3A_72 = tpu.memref_slice %arg4[%dma_wait3A_69, %dma_wait3A_70, %dma_wait3A_71] : memref<16384x56x128xf32, #tpu.memory_space<hbm>> -> memref<32x50x32xf32, #tpu.memory_space<hbm>>
      %dma_wait3A_73 = arith.constant 0 : i32
      %dma_wait3A_74 = arith.constant 0 : i32
      %dma_wait3A_75 = arith.constant 0 : i32
      %dma_wait3A_76 = tpu.memref_slice %arg6[%dma_wait3A_63, %dma_wait3A_73, %dma_wait3A_74, %dma_wait3A_75] : memref<2x32x50x32xf32, #tpu.memory_space<vmem>> -> memref<1x32x50x32xf32, #tpu.memory_space<vmem>>
      %dma_wait3A_77 = tpu.memref_squeeze %dma_wait3A_76 : memref<1x32x50x32xf32, #tpu.memory_space<vmem>> -> memref<32x50x32xf32, #tpu.memory_space<vmem>>
      %dma_wait3A_78 = arith.constant 0 : i32
      %dma_wait3A_79 = arith.constant 0 : i32
      %dma_wait3A_80 = arith.constant 0 : i32
      %dma_wait3A_81 = tpu.memref_slice %arg4[%dma_wait3A_78, %dma_wait3A_79, %dma_wait3A_80] : memref<16384x56x128xf32, #tpu.memory_space<hbm>> -> memref<32x50x32xf32, #tpu.memory_space<hbm>>
      tpu.wait_dma2 semaphore(%arg7 : memref<!tpu.dma_semaphore, #tpu.memory_space<semaphore_mem>>) src(%dma_wait3A_81 : memref<32x50x32xf32, #tpu.memory_space<hbm>>) dst(%dma_wait3A_77 : memref<32x50x32xf32, #tpu.memory_space<vmem>>)
      %rem3A_82 = arith.constant 2 : i32
      %rem3A_83 = arith.remsi %scan3A_62, %rem3A_82 : i32
      %mul3A_84 = arith.constant 32 : i32
      %mul3A_85 = arith.muli %scan3A_62, %mul3A_84 : i32
      %add3A_86 = arith.addi %mul3A_2, %mul3A_85 : i32
      %dma_start3A = arith.constant 0 : i32
      %dma_start3A_87 = arith.constant 0 : i32
      %dma_start3A_88 = arith.constant 0 : i32
      %dma_start3A_89 = tpu.memref_slice %arg6[%rem3A_83, %dma_start3A, %dma_start3A_87, %dma_start3A_88] : memref<2x32x50x32xf32, #tpu.memory_space<vmem>> -> memref<1x32x50x32xf32, #tpu.memory_space<vmem>>
      %dma_start3A_90 = tpu.memref_squeeze %dma_start3A_89 : memref<1x32x50x32xf32, #tpu.memory_space<vmem>> -> memref<32x50x32xf32, #tpu.memory_space<vmem>>
      %dma_start3A_91 = arith.constant 0 : i32
      %dma_start3A_92 = arith.constant 0 : i32
      %dma_start3A_93 = tpu.memref_slice %arg4[%add3A_86, %dma_start3A_91, %dma_start3A_92] : memref<16384x56x128xf32, #tpu.memory_space<hbm>> -> memref<32x50x32xf32, #tpu.memory_space<hbm>>
      %dma_start3A_94 = arith.constant 0 : i32
      %dma_start3A_95 = arith.constant 0 : i32
      %dma_start3A_96 = tpu.memref_slice %arg4[%add3A_86, %dma_start3A_94, %dma_start3A_95] : memref<16384x56x128xf32, #tpu.memory_space<hbm>> -> memref<32x50x32xf32, #tpu.memory_space<hbm>>
      %dma_start3A_97 = arith.constant 0 : i32
      %dma_start3A_98 = arith.constant 0 : i32
      %dma_start3A_99 = arith.constant 0 : i32
      %dma_start3A_100 = tpu.memref_slice %arg6[%rem3A_83, %dma_start3A_97, %dma_start3A_98, %dma_start3A_99] : memref<2x32x50x32xf32, #tpu.memory_space<vmem>> -> memref<1x32x50x32xf32, #tpu.memory_space<vmem>>
      %dma_start3A_101 = tpu.memref_squeeze %dma_start3A_100 : memref<1x32x50x32xf32, #tpu.memory_space<vmem>> -> memref<32x50x32xf32, #tpu.memory_space<vmem>>
      tpu.enqueue_dma source(%dma_start3A_101 : memref<32x50x32xf32, #tpu.memory_space<vmem>>) target(%dma_start3A_96 : memref<32x50x32xf32, #tpu.memory_space<hbm>>) target_semaphore(%arg8 : memref<!tpu.dma_semaphore, #tpu.memory_space<semaphore_mem>>)
      %add3A_102 = arith.constant 2 : i32
      %add3A_103 = arith.addi %scan3A_62, %add3A_102 : i32
      %lt3A = arith.constant 16 : i32
      %lt3A_104 = arith.cmpi slt, %add3A_103, %lt3A : i32
      %convert_element_type3A = arith.extui %lt3A_104 : i1 to i32
      %cond3A = arith.constant 0 : i32
      %cond3A_105 = arith.cmpi ne, %convert_element_type3A, %cond3A : i32
      scf.if %cond3A_105 {
        %dma_wait3A_106 = arith.constant 0 : i32
        %dma_wait3A_107 = arith.constant 0 : i32
        %dma_wait3A_108 = arith.constant 0 : i32
        %dma_wait3A_109 = arith.constant 0 : i32
        %dma_wait3A_110 = tpu.memref_slice %arg6[%dma_wait3A_106, %dma_wait3A_107, %dma_wait3A_108, %dma_wait3A_109] : memref<2x32x50x32xf32, #tpu.memory_space<vmem>> -> memref<1x32x50x32xf32, #tpu.memory_space<vmem>>
        %dma_wait3A_111 = tpu.memref_squeeze %dma_wait3A_110 : memref<1x32x50x32xf32, #tpu.memory_space<vmem>> -> memref<32x50x32xf32, #tpu.memory_space<vmem>>
        %dma_wait3A_112 = arith.constant 0 : i32
        %dma_wait3A_113 = arith.constant 0 : i32
        %dma_wait3A_114 = arith.constant 0 : i32
        %dma_wait3A_115 = tpu.memref_slice %arg4[%dma_wait3A_112, %dma_wait3A_113, %dma_wait3A_114] : memref<16384x56x128xf32, #tpu.memory_space<hbm>> -> memref<32x50x32xf32, #tpu.memory_space<hbm>>
        %dma_wait3A_116 = arith.constant 0 : i32
        %dma_wait3A_117 = arith.constant 0 : i32
        %dma_wait3A_118 = arith.constant 0 : i32
        %dma_wait3A_119 = tpu.memref_slice %arg6[%dma_wait3A_106, %dma_wait3A_116, %dma_wait3A_117, %dma_wait3A_118] : memref<2x32x50x32xf32, #tpu.memory_space<vmem>> -> memref<1x32x50x32xf32, #tpu.memory_space<vmem>>
        %dma_wait3A_120 = tpu.memref_squeeze %dma_wait3A_119 : memref<1x32x50x32xf32, #tpu.memory_space<vmem>> -> memref<32x50x32xf32, #tpu.memory_space<vmem>>
        %dma_wait3A_121 = arith.constant 0 : i32
        %dma_wait3A_122 = arith.constant 0 : i32
        %dma_wait3A_123 = arith.constant 0 : i32
        %dma_wait3A_124 = tpu.memref_slice %arg4[%dma_wait3A_121, %dma_wait3A_122, %dma_wait3A_123] : memref<16384x56x128xf32, #tpu.memory_space<hbm>> -> memref<32x50x32xf32, #tpu.memory_space<hbm>>
        tpu.wait_dma2 semaphore(%arg8 : memref<!tpu.dma_semaphore, #tpu.memory_space<semaphore_mem>>) src(%dma_wait3A_124 : memref<32x50x32xf32, #tpu.memory_space<hbm>>) dst(%dma_wait3A_120 : memref<32x50x32xf32, #tpu.memory_space<vmem>>)
        %add3A_125 = arith.constant 2 : i32
        %add3A_126 = arith.addi %scan3A_62, %add3A_125 : i32
        %rem3A_127 = arith.constant 2 : i32
        %rem3A_128 = arith.remsi %add3A_126, %rem3A_127 : i32
        %scan3A_129 = arith.constant 0 : i32
        %scan3A_130 = arith.constant 0 : i32
        %scan3A_131 = arith.constant 32 : i32
        %scan3A_132 = arith.addi %scan3A_130, %scan3A_131 : i32
        %scan3A_133 = arith.constant 1 : i32
        scf.for %scan3A_135 = %scan3A_130 to %scan3A_132 step %scan3A_133  : i32 {
          %mul3A_136 = arith.constant 32 : i32
          %mul3A_137 = arith.muli %add3A_126, %mul3A_136 : i32
          %add3A_138 = arith.addi %mul3A_137, %scan3A_135 : i32
          %dma_start3A_139 = arith.constant 0 : i32
          %dma_start3A_140 = arith.constant 0 : i32
          %dma_start3A_141 = arith.constant 0 : i32
          %dma_start3A_142 = tpu.memref_slice %arg6[%rem3A_128, %dma_start3A_139, %dma_start3A_140, %dma_start3A_141] : memref<2x32x50x32xf32, #tpu.memory_space<vmem>> -> memref<1x32x50x32xf32, #tpu.memory_space<vmem>>
          %dma_start3A_143 = tpu.memref_squeeze %dma_start3A_142 : memref<1x32x50x32xf32, #tpu.memory_space<vmem>> -> memref<32x50x32xf32, #tpu.memory_space<vmem>>
          %dma_start3A_144 = arith.constant 0 : i32
          %dma_start3A_145 = arith.constant 0 : i32
          %dma_start3A_146 = tpu.memref_slice %dma_start3A_143[%scan3A_135, %dma_start3A_144, %dma_start3A_145] : memref<32x50x32xf32, #tpu.memory_space<vmem>> -> memref<1x50x32xf32, #tpu.memory_space<vmem>>
          %dma_start3A_147 = tpu.memref_squeeze %dma_start3A_146 : memref<1x50x32xf32, #tpu.memory_space<vmem>> -> memref<50x32xf32, #tpu.memory_space<vmem>>
          %dma_start3A_148 = arith.constant 0 : i32
          %dma_start3A_149 = tpu.memref_slice %arg5[%add3A_138, %dma_start3A_148] : memref<512x50xi32, #tpu.memory_space<vmem>> -> memref<1x50xi32, #tpu.memory_space<vmem>>
          %dma_start3A_150 = tpu.memref_squeeze %dma_start3A_149 : memref<1x50xi32, #tpu.memory_space<vmem>> -> memref<50xi32, #tpu.memory_space<vmem>>
          %dma_start3A_151 = arith.constant 0 : i32
          %dma_start3A_152 = arith.constant 0 : i32
          %dma_start3A_153 = tpu.memref_slice %arg3[%dma_start3A_151, %dma_start3A_152] : memref<1000000x32xf32, #tpu.memory_space<hbm>> -> memref<1000000x32xf32, #tpu.memory_space<hbm>>
          tpu.enqueue_indirect_dma source(%dma_start3A_153 : memref<1000000x32xf32, #tpu.memory_space<hbm>>) target(%dma_start3A_147 : memref<50x32xf32, #tpu.memory_space<vmem>>) offsets(%dma_start3A_150 : memref<50xi32, #tpu.memory_space<vmem>>) semaphore(%arg7 : memref<!tpu.dma_semaphore, #tpu.memory_space<semaphore_mem>>)
        }
        %scan3A_134 = arith.constant 32 : i32
      } else {
      }
    }
    %scan3A_24 = arith.constant 16 : i32
    %dma_wait3A = arith.constant 0 : i32
    %dma_wait3A_25 = arith.constant 0 : i32
    %dma_wait3A_26 = arith.constant 0 : i32
    %dma_wait3A_27 = arith.constant 0 : i32
    %dma_wait3A_28 = tpu.memref_slice %arg6[%dma_wait3A, %dma_wait3A_25, %dma_wait3A_26, %dma_wait3A_27] : memref<2x32x50x32xf32, #tpu.memory_space<vmem>> -> memref<1x32x50x32xf32, #tpu.memory_space<vmem>>
    %dma_wait3A_29 = tpu.memref_squeeze %dma_wait3A_28 : memref<1x32x50x32xf32, #tpu.memory_space<vmem>> -> memref<32x50x32xf32, #tpu.memory_space<vmem>>
    %dma_wait3A_30 = arith.constant 0 : i32
    %dma_wait3A_31 = arith.constant 0 : i32
    %dma_wait3A_32 = arith.constant 0 : i32
    %dma_wait3A_33 = tpu.memref_slice %arg4[%dma_wait3A_30, %dma_wait3A_31, %dma_wait3A_32] : memref<16384x56x128xf32, #tpu.memory_space<hbm>> -> memref<32x50x32xf32, #tpu.memory_space<hbm>>
    %dma_wait3A_34 = arith.constant 0 : i32
    %dma_wait3A_35 = arith.constant 0 : i32
    %dma_wait3A_36 = arith.constant 0 : i32
    %dma_wait3A_37 = tpu.memref_slice %arg6[%dma_wait3A, %dma_wait3A_34, %dma_wait3A_35, %dma_wait3A_36] : memref<2x32x50x32xf32, #tpu.memory_space<vmem>> -> memref<1x32x50x32xf32, #tpu.memory_space<vmem>>
    %dma_wait3A_38 = tpu.memref_squeeze %dma_wait3A_37 : memref<1x32x50x32xf32, #tpu.memory_space<vmem>> -> memref<32x50x32xf32, #tpu.memory_space<vmem>>
    %dma_wait3A_39 = arith.constant 0 : i32
    %dma_wait3A_40 = arith.constant 0 : i32
    %dma_wait3A_41 = arith.constant 0 : i32
    %dma_wait3A_42 = tpu.memref_slice %arg4[%dma_wait3A_39, %dma_wait3A_40, %dma_wait3A_41] : memref<16384x56x128xf32, #tpu.memory_space<hbm>> -> memref<32x50x32xf32, #tpu.memory_space<hbm>>
    tpu.wait_dma2 semaphore(%arg8 : memref<!tpu.dma_semaphore, #tpu.memory_space<semaphore_mem>>) src(%dma_wait3A_42 : memref<32x50x32xf32, #tpu.memory_space<hbm>>) dst(%dma_wait3A_38 : memref<32x50x32xf32, #tpu.memory_space<vmem>>)
    %dma_wait3A_43 = arith.constant 0 : i32
    %dma_wait3A_44 = arith.constant 0 : i32
    %dma_wait3A_45 = arith.constant 0 : i32
    %dma_wait3A_46 = arith.constant 0 : i32
    %dma_wait3A_47 = tpu.memref_slice %arg6[%dma_wait3A_43, %dma_wait3A_44, %dma_wait3A_45, %dma_wait3A_46] : memref<2x32x50x32xf32, #tpu.memory_space<vmem>> -> memref<1x32x50x32xf32, #tpu.memory_space<vmem>>
    %dma_wait3A_48 = tpu.memref_squeeze %dma_wait3A_47 : memref<1x32x50x32xf32, #tpu.memory_space<vmem>> -> memref<32x50x32xf32, #tpu.memory_space<vmem>>
    %dma_wait3A_49 = arith.constant 0 : i32
    %dma_wait3A_50 = arith.constant 0 : i32
    %dma_wait3A_51 = arith.constant 0 : i32
    %dma_wait3A_52 = tpu.memref_slice %arg4[%dma_wait3A_49, %dma_wait3A_50, %dma_wait3A_51] : memref<16384x56x128xf32, #tpu.memory_space<hbm>> -> memref<32x50x32xf32, #tpu.memory_space<hbm>>
    %dma_wait3A_53 = arith.constant 0 : i32
    %dma_wait3A_54 = arith.constant 0 : i32
    %dma_wait3A_55 = arith.constant 0 : i32
    %dma_wait3A_56 = tpu.memref_slice %arg6[%dma_wait3A_43, %dma_wait3A_53, %dma_wait3A_54, %dma_wait3A_55] : memref<2x32x50x32xf32, #tpu.memory_space<vmem>> -> memref<1x32x50x32xf32, #tpu.memory_space<vmem>>
    %dma_wait3A_57 = tpu.memref_squeeze %dma_wait3A_56 : memref<1x32x50x32xf32, #tpu.memory_space<vmem>> -> memref<32x50x32xf32, #tpu.memory_space<vmem>>
    %dma_wait3A_58 = arith.constant 0 : i32
    %dma_wait3A_59 = arith.constant 0 : i32
    %dma_wait3A_60 = arith.constant 0 : i32
    %dma_wait3A_61 = tpu.memref_slice %arg4[%dma_wait3A_58, %dma_wait3A_59, %dma_wait3A_60] : memref<16384x56x128xf32, #tpu.memory_space<hbm>> -> memref<32x50x32xf32, #tpu.memory_space<hbm>>
    tpu.wait_dma2 semaphore(%arg8 : memref<!tpu.dma_semaphore, #tpu.memory_space<semaphore_mem>>) src(%dma_wait3A_61 : memref<32x50x32xf32, #tpu.memory_space<hbm>>) dst(%dma_wait3A_57 : memref<32x50x32xf32, #tpu.memory_space<vmem>>)
    return
  }
}

</mosaic_0001>

<sc_bundles>
// kernel: kernel.3.cloned.1.call-start
scs
__scs_entry_jumppad:
0x0: {  	(pc) =	sbr.rel $0x88, $3  }
0x1: {  	(tag) =	ssettag $0x0;
	lr =	simm.s32 $0x1  }
0x2: {  	[smem:$0x3F9F] =	sst lr;
	_ =	strace $0xD0000000  }
0x3: {  	_ = 	snop  }
0x4: {  	_ = 	snop  }
0x5: {  	_ = 	snop  }
0x6: {  	_ = 	snop  }
0x7: {  	_ = 	snop  }
__scs_overlays_trampoline_lowered:
0x8: {  	[smem:$0x3FAE] =	sst s0  }
0x9: {  	[smem:$0x3FAF] =	sst s1  }
0xa: {  	[smem:$0x3FB0] =	sst s2  }
0xb: {  	[smem:$0x3FB1] =	sst s3  }
0xc: {  	[smem:$0x3FB2] =	sst s4  }
0xd: {  	[smem:$0x3FB3] =	sst s5  }
0xe: {  	[smem:$0x3FB4] =	sst s6  }
0xf: {  	[smem:$0x3FB5] =	sst s7  }
0x10: {  	[smem:$0x3FB6] =	sst s8  }
0x11: {  	[smem:$0x3FB7] =	sst s9;
	s0 =	simm.s32 @!p0 $0x0  }
0x12: {  	s1 =	sld [smem:$0x3F9D];
	s0 =	simm.s32 @p0 $0x1  }
0x13: {  	[smem:$0x3FB8] =	sst s0;
	s0 =	simm.s32 @!p1 $0x0  }
0x14: {  	s2 =	sld [smem:$0x3F9C];
	s0 =	simm.s32 @p1 $0x1  }
0x15: {  	[smem:$0x3FB9] =	sst s0;
	s0 =	simm.s32 @!p2 $0x0  }
0x16: {  	s3 =	sld [smem:$0x3FDB];
	s0 =	simm.s32 @p2 $0x1  }
0x17: {  	s4 =	simm.s32 $0x1BF5;
	[smem:$0x3FBB] =	sst s0  }
0x18: {  	s0 =	sld [smem:$0x3F9E];
	_ =	swait.ge [sflag:s4], $0x0  }
0x19: {  	s7 =	sld [smem:$0x3F9F]  }
0x1a: {  	s8 =	sadd.s32 $0xFFFFE003, lr  }
0x1b: {  	s9 =	sadd.s32 $0xFFFFFEF7, lr;
	s5 =	simm.s32 $0xFFFFFFFF;
	p2 =	slt.u32 s8, $0xFFFFF086  }
0x1c: {  	p1 =	slt.u32 s9, $0xF7A;
	s5 =	simm.s32 @!p2 $0x0  }
0x1d: {  	s5 =	simm.s32 @p1 $0x1;
	p0 =	seq.s32 s7, s2  }
0x1e: {  	s7 =	smul.u32 @!p0 $0xF7A, s2;
	p2 =	seq.s32 @!p0 s5, $0x0  }
0x1f: {  	s9 =	smul.u32 $0xF7A, s1;
	s8 =	simm.s32 @!p0 $0x1BF5;
	p2 =	por !p2, p0  }
0x20: {  	[sflag:s8] =	ssyncset.s32 @!p0 $0xFFFFF086;
	s6 =	sadd.s32 @!p0 s3, s7;
	s7 =	simm.s32 @!p0 $0x108  }
0x21: {  	s3 =	sadd.s32 s3, s9;
	s6 =	sadd.s32 @!p0 $0x88, s6;
	s7 =	simm.s32 @p2 $0x1082  }
0x22: {  	[simem:s7], [sflag:s8] =	dma.local @!p0 [hbm:s6], $0xF7A  }
0x23: {  	s9 =	sor.u32 $0xD0000000, s2;
	s6 =	simm.s32 $0x108;
	_ =	swait.ge @!p0 [sflag:s8], $0x0  }
0x24: {  	s3 =	sadd.s32 $0x88, s3;
	s6 =	simm.s32 @!p1 $0x1082;
	[sflag:s4] =	ssyncset.s32 $0xFFFFF086  }
0x25: {  	[simem:s6], [sflag:s4] =	dma.local [hbm:s3], $0xF7A  }
0x26: {  	[smem:$0x3F9F] =	sst s1;
	(tag) =	ssettag s2;
	_ =	strace s9  }
0x27: {  	s1 =	sld [smem:$0x3FAF]  }
0x28: {  	s2 =	sld [smem:$0x3FB0]  }
0x29: {  	s4 =	sld [smem:$0x3FB2]  }
0x2a: {  	p0 =	seq.s32 s5, $0x0;
	s5 =	sld [smem:$0x3FB3]  }
0x2b: {  	s6 =	sld [smem:$0x3FB4]  }
0x2c: {  	s7 =	sld [smem:$0x3FB5]  }
0x2d: {  	s3 =	simm.s32 $0x108;
	s8 =	sld [smem:$0x3FB6]  }
0x2e: {  	s3 =	simm.s32 @!p0 $0x1082;
	s9 =	sld [smem:$0x3FB7]  }
0x2f: {  	lr =	sadd.s32 s0, s3;
	s0 =	sld [smem:$0x3FAE]  }
0x30: {  	s3 =	sld [smem:$0x3FB1]  }
0x31: {  	[smem:$0x3FBA] =	sst s10  }
0x32: {  	s10 =	sld [smem:$0x3FB8];
	_ =	sdelay $0x3  }
0x33: {  	p0 =	seq.s32 s10, $0x1;
	s10 =	sld [smem:$0x3FBA];
	_ =	sdelay $0x3  }
0x34: {  	[smem:$0x3FBA] =	sst s10  }
0x35: {  	s10 =	sld [smem:$0x3FB9];
	_ =	sdelay $0x3  }
0x36: {  	p1 =	seq.s32 s10, $0x1;
	s10 =	sld [smem:$0x3FBA];
	_ =	sdelay $0x3  }
0x37: {  	[smem:$0x3FBA] =	sst s10  }
0x38: {  	s10 =	sld [smem:$0x3FBB]  }
0x39: {  	_ = 	snop;
	(pc) =	sbr.ind lr, $3  }
0x3a: {  	_ = 	snop  }
0x3b: {  	_ = 	snop  }
0x3c: {  	p2 =	seq.s32 s10, $0x1;
	s10 =	sld [smem:$0x3FBA]  }
0x3d: {  	_ =	shalt  }
0x3e: {  	_ =	shalt  }
0x3f: {  	_ =	shalt  }
0x40: {  	_ =	shalt  }
0x41: {  	_ =	shalt  }
0x42: {  	_ =	shalt  }
0x43: {  	_ =	shalt  }
0x44: {  	_ =	shalt  }
0x45: {  	_ =	shalt  }
0x46: {  	_ =	shalt  }
0x47: {  	_ =	shalt  }
0x48: {  	_ =	shalt  }
0x49: {  	_ =	shalt  }
0x4a: {  	_ =	shalt  }
0x4b: {  	_ =	shalt  }
0x4c: {  	_ =	shalt  }
0x4d: {  	_ =	shalt  }
0x4e: {  	_ =	shalt  }
0x4f: {  	_ =	shalt  }
0x50: {  	_ =	shalt  }
0x51: {  	_ =	shalt  }
0x52: {  	_ =	shalt  }
0x53: {  	_ =	shalt  }
0x54: {  	_ =	shalt  }
0x55: {  	_ =	shalt  }
0x56: {  	_ =	shalt  }
0x57: {  	_ =	shalt  }
0x58: {  	_ =	shalt  }
0x59: {  	_ =	shalt  }
0x5a: {  	_ =	shalt  }
0x5b: {  	_ =	shalt  }
0x5c: {  	_ =	shalt  }
0x5d: {  	_ =	shalt  }
0x5e: {  	_ =	shalt  }
0x5f: {  	_ =	shalt  }
0x60: {  	_ =	shalt  }
0x61: {  	_ =	shalt  }
0x62: {  	_ =	shalt  }
0x63: {  	_ =	shalt  }
0x64: {  	_ =	shalt  }
0x65: {  	_ =	shalt  }
0x66: {  	_ =	shalt  }
0x67: {  	_ =	shalt  }
0x68: {  	_ =	shalt  }
0x69: {  	_ =	shalt  }
0x6a: {  	_ =	shalt  }
0x6b: {  	_ =	shalt  }
0x6c: {  	_ =	shalt  }
0x6d: {  	_ =	shalt  }
0x6e: {  	_ =	shalt  }
0x6f: {  	_ =	shalt  }
0x70: {  	_ =	shalt  }
0x71: {  	_ =	shalt  }
0x72: {  	_ =	shalt  }
0x73: {  	_ =	shalt  }
0x74: {  	_ =	shalt  }
0x75: {  	_ =	shalt  }
0x76: {  	_ =	shalt  }
0x77: {  	_ =	shalt  }
0x78: {  	_ =	shalt  }
0x79: {  	_ =	shalt  }
0x7a: {  	_ =	shalt  }
0x7b: {  	_ =	shalt  }
0x7c: {  	_ =	shalt  }
0x7d: {  	_ =	shalt  }
0x7e: {  	_ =	shalt  }
0x7f: {  	_ =	shalt  }
0x80: {  	_ =	shalt  }
0x81: {  	_ =	shalt  }
0x82: {  	_ =	shalt  }
0x83: {  	_ =	shalt  }
0x84: {  	_ =	shalt  }
0x85: {  	_ =	shalt  }
0x86: {  	_ =	shalt  }
0x87: {  	_ =	shalt  }
.Lfunc_end0:
.L_simem_size_0:
called_computation.1_lowered:
.L_overlay_start_0:
0x88: {  	s2 =	sld [smem:$0x3FD9]  }
0x89: {  	s3 =	sld [smem:$0x3FFE];
	_ =	sdelay $0x1  }
0x8a: {  	s1 =	srdreg.scid  }
0x8b: {  	s0 =	sand.u32 $0x1, s1  }
0x8c: {  	s17 =	sshll.u32 s0, $0xA;
	s2 =	sadd.s32 s3, s2  }
0x8d: {  	s2 =	sadd.s32 s2, s17  }
0x8e: {  	[smem:$0x3FC6] =	sst s2  }
0x8f: {  	_ = 	snop  }
0x90: {  	s2 =	sld [smem:$0x3FD0];
	(tm) =	ssettm $0x1  }
0x91: {  	s18 =	sld [smem:$0x3FFB];
	_ =	sdelay $0x3  }
0x92: {  	_ =	strace s18  }
0x93: {  	s3 =	sld [smem:$0x3FFC];
	_ =	sdelay $0x3  }
0x94: {  	_ =	strace s3  }
0x95: {  	s3 =	sld [smem:$0x3FFD];
	_ =	sdelay $0x3  }
0x96: {  	_ =	strace s3  }
0x97: {  	_ =	strace $0x8FFFFFFF  }
0x98: {  	s19 =	sld [smem:$0x3FDB];
	_ =	sdelay $0x1  }
0x99: {  	s4 =	simm.s32 $_scs_section_size  }
0x9a: {  	s5 =	simm.s32 $_size__tile_overlayer_lowered;
	s6 =	simm.s32 $_tile_overlayer_lowered  }
0x9b: {  	s22 =	simm.s32 $0x1BFF;
	s21 =	sshll.u32 s6, $0x1;
	s3 =	sadd.s32 s4, s19  }
0x9c: {  	s7 =	simm.s32 $0x0;
	s20 =	sshll.u32 s5, $0x1;
	s5 =	sadd.s32 s21, s3  }
0x9d: {  	[timem:s7], [sflag:s22] =	dma.local [hbm:s5], s20  }
0x9e: {  	_ =	swait.ge [sflag:s22], s20  }
0x9f: {  	s4 =	ssub.s32 $0x0, s20;
	[sflag:s22] =	ssyncset.done $0x0  }
0xa0: {  	[sflag:s22] =	ssyncadd.s32 s4;
	_ =	sdelay $0x1  }
0xa1: {  	s23 =	simm.s32 $0x1B8B  }
0xa2: {  	_ =	swait.ge [sflag:s23], $0x1  }
0xa3: {  	[sflag:s23] =	ssyncset.done $0x0  }
0xa4: {  	s25 =	simm.s32 $0x1B8E;
	s24 =	sld [smem:$0x3FFE];
	[sflag:s23] =	ssyncadd.s32 $0xFFFFFFFF  }
0xa5: {  	s26 =	simm.s32 $execute0_lowered;
	[smem:$0x3FD2] =	sst s25  }
0xa6: {  	s5 =	sshll.u32 s26, $0x1;
	_ =	strace $0x80000046;
	[dreg:$0x1] =	wrdreg $0xFFFFFFFF  }
0xa7: {  	s28 =	simm.s32 $_size_execute0_lowered;
	s3 =	sadd.s32 s3, s5;
	[dreg:$0x0] =	wrdreg $0x0  }
0xa8: {  	s5 =	sshll.u32 s28, $0x1;
	[dreg:$0x2] =	wrdreg s3  }
0xa9: {  	[dreg:$0x3] =	wrdreg s5  }
0xaa: {  	[dreg:$0x4] =	wrdreg $0xC0  }
0xab: {  	_ =	task [dreg:s7], $0x5FFFF  }
0xac: {  	[dreg:$0x1] =	wrdreg $0xFFFFFFFF  }
0xad: {  	[dreg:$0x0] =	wrdreg $0x60  }
0xae: {  	[dreg:$0x2] =	wrdreg s2  }
0xaf: {  	[dreg:$0x3] =	wrdreg s24  }
0xb0: {  	[dreg:$0x4] =	wrdreg $0x9  }
0xb1: {  	_ =	task.clear_ibuf [dreg:s7], $0x5FFFF;
	_ =	strace $0x90000046  }
0xb2: {  	s29 =	simm.s32 $0x9;
	_ =	strace $0x80000048  }
0xb3: {  	_ =	swait.ge [sflag:s29], $0x1  }
0xb4: {  	[sflag:s29] =	ssyncadd.s32 $0xFFFFFFFF  }
0xb5: {  	_ =	strace $0x90000048  }
0xb6: {  	_ =	sfence  }
0xb7: {  	s30 =	sld [smem:$0x0];
	_ =	sdelay $0x2  }
0xb8: {  	s31 =	sshll.u32 s1, $0xD;
	s1 =	sshrl.u32 s1, $0x2  }
0xb9: {  	s3 =	sand.u32 $0x4000, s31;
	s1 =	sadd.s32 s1, s30  }
0xba: {  	s0 =	sor.u32 s3, s0;
	s1 =	sshll.u32 s1, $0x11  }
0xbb: {  	s0 =	sor.u32 s1, s0  }
0xbc: {  	s0 =	sadd.s32 $0x8F2B, s0  }
0xbd: {  	[sflag:s0] =	ssyncadd.remote.s32 $0x1  }
0xbe: {  	_ =	sfence.sel $0xFFFF  }
0xbf: {  	[dreg:$0x0] =	wrdreg $0xFFFFFFFF;
	(pc) =	sbr.abs _section_cstart, $3  }
0xc0: {  	[dreg:$0x1] =	wrdreg $0xFFFFFFFF  }
0xc1: {  	_ =	task.clear_ibuf [dreg:s7], $0x2FFFF;
	_ =	strace $0x9FFFFFFF  }
0xc2: {  	(tm) =	ssettm $0x7FFFFFFF  }
0xc3: {  	_ =	shalt  }
tec
execute0_lowered:
.L_overlay_start_1:
0x0: {  	(tag) =	ssettag $0x1  }
0x1: {  	s0 =	srdreg.scid;
	s1 =	rddreg [dreg:$0x0]  }
0x2: {  	s2 =	stileid.u32;
	s5 =	rddreg [dreg:$0x1]  }
0x3: {  	s8 =	simm.s32 $0x3;
	s9 =	simm.s32 $0x32;
	s12 =	simm.s32 $0xCE8  }
0x4: {  	s13 =	simm.s32 $0x1E0C0;
	s14 =	simm.s32 $0xD20;
	s15 =	simm.s32 $0x1E700  }
0x5: {  	s16 =	simm.s32 $0xD58;
	s17 =	simm.s32 $0x1ED40;
	s18 =	simm.s32 $0xD90  }
0x6: {  	s19 =	simm.s32 $0x1F380;
	s20 =	simm.s32 $0xDC8;
	s21 =	simm.s32 $0x1F9C0  }
0x7: {  	s22 =	simm.s32 $0x1;
	s23 =	simm.s32 $0x20;
	s24 =	simm.s32 $0x80  }
0x8: {  	s25 =	simm.s32 $0x2;
	s26 =	simm.s32 $0x0;
	s0 =	sand.u32 $0x1, s0  }
.Ltmp0:
0x9: {  	s3 =	sshll.u32 s2, $0xA;
	s4 =	sshll.u32 s0, $0x9;
	(pc) =	sbr.rel .LBB2_1-.Ltmp0, $4  }
0xa: {  	s2 =	simm.s32 $0x0;
	s0 =	ssub.s32 $0x2, s0;
	s3 =	sor.u32 s4, s3  }
0xb: {  	[smem:$0x7FF] =	sst s2;
	s7 =	sshrl.u32 s0, $0x1;
	s6 =	smul.u32 $0x7, s3  }
0xc: {  	_ =	strace $0x80000047;
	s4 =	sadd.s32 $0xF42E00, s5;
	s0 =	ssub.s32 s0, s7  }
0xd: {  	s5 =	sadd.s32 $0xA00, s5;
	s7 =	smax.u32 s0, $0x1;
	s6 =	sadd.s32 s1, s6  }
.LBB2_8:
0xe: {  	s26 =	sadd.s32 $0x1, s26  }
0xf: {  	_ =	swait.ge [sflag:s25], $0xC800;
	p0 =	sne.s32 s26, s7  }
.Ltmp1:
0x10: {  	[sflag:s25] =	ssyncset.done $0x0;
	(pc) =	sbr.rel @!p0 .LBB2_9-.Ltmp1, $4  }
0x11: {  	[sflag:s25] =	ssyncadd.s32 $0xFFFF3800  }
0x12: {  	_ =	swait.ge [sflag:s25], $0xC800  }
0x13: {  	[sflag:s25] =	ssyncset.done $0x0  }
0x14: {  	[sflag:s25] =	ssyncadd.s32 $0xFFFF3800  }
.LBB2_1:
0x15: {  	[tilespmem:s2], [sflag:$0x3] =	stream.linear.gather [hbm4b:s6+s2], $0x7000, $0x38;
	v63 =	vld [tilespmem:$0x0]  }
0x16: {  	_ =	swait.ge [sflag:s8], $0x7000  }
0x17: {  	[sflag:s8] =	ssyncset.done $0x0  }
0x18: {  	s0 =	simm.s32 $0x7000;
	[sflag:s8] =	ssyncadd.s32 $0xFFFF9000  }
0x19: {  	[tilespmem:s0], [sflag:$0x1] =	stream.indirect.gather [hbm4b:s4+s9], $0x20, s2, s9, $0xb8;
	v63 =	vld [tilespmem:$0x0]  }
0x1a: {  	s11 =	simm.s32 $0x38;
	s1 =	simm.s32 $0x7640  }
0x1b: {  	[tilespmem:s1], [sflag:$0x1] =	stream.indirect.gather [hbm4b:s4+s9], $0x20, s11, s9, $0xb8;
	v63 =	vld [tilespmem:$0x0]  }
0x1c: {  	s30 =	simm.s32 $0x70;
	s31 =	simm.s32 $0x7C80  }
0x1d: {  	[tilespmem:s31], [sflag:$0x1] =	stream.indirect.gather [hbm4b:s4+s9], $0x20, s30, s9, $0xb8;
	v63 =	vld [tilespmem:$0x0]  }
0x1e: {  	s10 =	simm.s32 $0xA8;
	s11 =	simm.s32 $0x82C0  }
0x1f: {  	[tilespmem:s11], [sflag:$0x1] =	stream.indirect.gather [hbm4b:s4+s9], $0x20, s10, s9, $0xb8;
	v63 =	vld [tilespmem:$0x0]  }
0x20: {  	s30 =	simm.s32 $0xE0;
	s31 =	simm.s32 $0x8900  }
0x21: {  	[tilespmem:s31], [sflag:$0x1] =	stream.indirect.gather [hbm4b:s4+s9], $0x20, s30, s9, $0xb8;
	v63 =	vld [tilespmem:$0x0]  }
0x22: {  	s10 =	simm.s32 $0x118;
	s11 =	simm.s32 $0x8F40  }
0x23: {  	[tilespmem:s11], [sflag:$0x1] =	stream.indirect.gather [hbm4b:s4+s9], $0x20, s10, s9, $0xb8;
	v63 =	vld [tilespmem:$0x0]  }
0x24: {  	s30 =	simm.s32 $0x150;
	s31 =	simm.s32 $0x9580  }
0x25: {  	[tilespmem:s31], [sflag:$0x1] =	stream.indirect.gather [hbm4b:s4+s9], $0x20, s30, s9, $0xb8;
	v63 =	vld [tilespmem:$0x0]  }
0x26: {  	s10 =	simm.s32 $0x188;
	s11 =	simm.s32 $0x9BC0  }
0x27: {  	[tilespmem:s11], [sflag:$0x1] =	stream.indirect.gather [hbm4b:s4+s9], $0x20, s10, s9, $0xb8;
	v63 =	vld [tilespmem:$0x0]  }
0x28: {  	s30 =	simm.s32 $0x1C0;
	s31 =	simm.s32 $0xA200  }
0x29: {  	[tilespmem:s31], [sflag:$0x1] =	stream.indirect.gather [hbm4b:s4+s9], $0x20, s30, s9, $0xb8;
	v63 =	vld [tilespmem:$0x0]  }
0x2a: {  	s10 =	simm.s32 $0x1F8;
	s11 =	simm.s32 $0xA840  }
0x2b: {  	[tilespmem:s11], [sflag:$0x1] =	stream.indirect.gather [hbm4b:s4+s9], $0x20, s10, s9, $0xb8;
	v63 =	vld [tilespmem:$0x0]  }
0x2c: {  	s30 =	simm.s32 $0x230;
	s31 =	simm.s32 $0xAE80  }
0x2d: {  	[tilespmem:s31], [sflag:$0x1] =	stream.indirect.gather [hbm4b:s4+s9], $0x20, s30, s9, $0xb8;
	v63 =	vld [tilespmem:$0x0]  }
0x2e: {  	s10 =	simm.s32 $0x268;
	s11 =	simm.s32 $0xB4C0  }
0x2f: {  	[tilespmem:s11], [sflag:$0x1] =	stream.indirect.gather [hbm4b:s4+s9], $0x20, s10, s9, $0xb8;
	v63 =	vld [tilespmem:$0x0]  }
0x30: {  	s30 =	simm.s32 $0x2A0;
	s31 =	simm.s32 $0xBB00  }
0x31: {  	[tilespmem:s31], [sflag:$0x1] =	stream.indirect.gather [hbm4b:s4+s9], $0x20, s30, s9, $0xb8;
	v63 =	vld [tilespmem:$0x0]  }
0x32: {  	s10 =	simm.s32 $0x2D8;
	s11 =	simm.s32 $0xC140  }
0x33: {  	[tilespmem:s11], [sflag:$0x1] =	stream.indirect.gather [hbm4b:s4+s9], $0x20, s10, s9, $0xb8;
	v63 =	vld [tilespmem:$0x0]  }
0x34: {  	s30 =	simm.s32 $0x310;
	s31 =	simm.s32 $0xC780  }
0x35: {  	[tilespmem:s31], [sflag:$0x1] =	stream.indirect.gather [hbm4b:s4+s9], $0x20, s30, s9, $0xb8;
	v63 =	vld [tilespmem:$0x0]  }
0x36: {  	s10 =	simm.s32 $0x348;
	s11 =	simm.s32 $0xCDC0  }
0x37: {  	[tilespmem:s11], [sflag:$0x1] =	stream.indirect.gather [hbm4b:s4+s9], $0x20, s10, s9, $0xb8;
	v63 =	vld [tilespmem:$0x0]  }
0x38: {  	s30 =	simm.s32 $0x380;
	s31 =	simm.s32 $0xD400  }
0x39: {  	[tilespmem:s31], [sflag:$0x1] =	stream.indirect.gather [hbm4b:s4+s9], $0x20, s30, s9, $0xb8;
	v63 =	vld [tilespmem:$0x0]  }
0x3a: {  	s10 =	simm.s32 $0x3B8;
	s11 =	simm.s32 $0xDA40  }
0x3b: {  	[tilespmem:s11], [sflag:$0x1] =	stream.indirect.gather [hbm4b:s4+s9], $0x20, s10, s9, $0xb8;
	v63 =	vld [tilespmem:$0x0]  }
0x3c: {  	s30 =	simm.s32 $0x3F0;
	s31 =	simm.s32 $0xE080  }
0x3d: {  	[tilespmem:s31], [sflag:$0x1] =	stream.indirect.gather [hbm4b:s4+s9], $0x20, s30, s9, $0xb8;
	v63 =	vld [tilespmem:$0x0]  }
0x3e: {  	s10 =	simm.s32 $0x428;
	s11 =	simm.s32 $0xE6C0  }
0x3f: {  	[tilespmem:s11], [sflag:$0x1] =	stream.indirect.gather [hbm4b:s4+s9], $0x20, s10, s9, $0xb8;
	v63 =	vld [tilespmem:$0x0]  }
0x40: {  	s30 =	simm.s32 $0x460;
	s31 =	simm.s32 $0xED00  }
0x41: {  	[tilespmem:s31], [sflag:$0x1] =	stream.indirect.gather [hbm4b:s4+s9], $0x20, s30, s9, $0xb8;
	v63 =	vld [tilespmem:$0x0]  }
0x42: {  	s10 =	simm.s32 $0x498;
	s11 =	simm.s32 $0xF340  }
0x43: {  	[tilespmem:s11], [sflag:$0x1] =	stream.indirect.gather [hbm4b:s4+s9], $0x20, s10, s9, $0xb8;
	v63 =	vld [tilespmem:$0x0]  }
0x44: {  	s30 =	simm.s32 $0x4D0;
	s31 =	simm.s32 $0xF980  }
0x45: {  	[tilespmem:s31], [sflag:$0x1] =	stream.indirect.gather [hbm4b:s4+s9], $0x20, s30, s9, $0xb8;
	v63 =	vld [tilespmem:$0x0]  }
0x46: {  	s10 =	simm.s32 $0x508;
	s11 =	simm.s32 $0xFFC0  }
0x47: {  	[tilespmem:s11], [sflag:$0x1] =	stream.indirect.gather [hbm4b:s4+s9], $0x20, s10, s9, $0xb8;
	v63 =	vld [tilespmem:$0x0]  }
0x48: {  	s30 =	simm.s32 $0x540;
	s31 =	simm.s32 $0x10600  }
0x49: {  	[tilespmem:s31], [sflag:$0x1] =	stream.indirect.gather [hbm4b:s4+s9], $0x20, s30, s9, $0xb8;
	v63 =	vld [tilespmem:$0x0]  }
0x4a: {  	s10 =	simm.s32 $0x578;
	s11 =	simm.s32 $0x10C40  }
0x4b: {  	[tilespmem:s11], [sflag:$0x1] =	stream.indirect.gather [hbm4b:s4+s9], $0x20, s10, s9, $0xb8;
	v63 =	vld [tilespmem:$0x0]  }
0x4c: {  	s30 =	simm.s32 $0x5B0;
	s31 =	simm.s32 $0x11280  }
0x4d: {  	[tilespmem:s31], [sflag:$0x1] =	stream.indirect.gather [hbm4b:s4+s9], $0x20, s30, s9, $0xb8;
	v63 =	vld [tilespmem:$0x0]  }
0x4e: {  	s10 =	simm.s32 $0x5E8;
	s11 =	simm.s32 $0x118C0  }
0x4f: {  	[tilespmem:s11], [sflag:$0x1] =	stream.indirect.gather [hbm4b:s4+s9], $0x20, s10, s9, $0xb8;
	v63 =	vld [tilespmem:$0x0]  }
0x50: {  	s30 =	simm.s32 $0x620;
	s31 =	simm.s32 $0x11F00  }
0x51: {  	[tilespmem:s31], [sflag:$0x1] =	stream.indirect.gather [hbm4b:s4+s9], $0x20, s30, s9, $0xb8;
	v63 =	vld [tilespmem:$0x0]  }
0x52: {  	s10 =	simm.s32 $0x658;
	s11 =	simm.s32 $0x12540  }
0x53: {  	[tilespmem:s11], [sflag:$0x1] =	stream.indirect.gather [hbm4b:s4+s9], $0x20, s10, s9, $0xb8;
	v63 =	vld [tilespmem:$0x0]  }
0x54: {  	s30 =	simm.s32 $0x690;
	s31 =	simm.s32 $0x12B80  }
0x55: {  	[tilespmem:s31], [sflag:$0x1] =	stream.indirect.gather [hbm4b:s4+s9], $0x20, s30, s9, $0xb8;
	v63 =	vld [tilespmem:$0x0]  }
0x56: {  	s10 =	simm.s32 $0x6C8;
	s11 =	simm.s32 $0x131C0  }
0x57: {  	[tilespmem:s11], [sflag:$0x1] =	stream.indirect.gather [hbm4b:s4+s9], $0x20, s10, s9, $0xb8;
	v63 =	vld [tilespmem:$0x0]  }
0x58: {  	s30 =	simm.s32 $0x700;
	s31 =	simm.s32 $0x13800  }
0x59: {  	[tilespmem:s31], [sflag:$0x1] =	stream.indirect.gather [hbm4b:s4+s9], $0x20, s30, s9, $0xb8;
	v63 =	vld [tilespmem:$0x0]  }
0x5a: {  	s10 =	simm.s32 $0x738;
	s11 =	simm.s32 $0x13E40  }
0x5b: {  	[tilespmem:s11], [sflag:$0x1] =	stream.indirect.gather [hbm4b:s4+s9], $0x20, s10, s9, $0xb8;
	v63 =	vld [tilespmem:$0x0]  }
0x5c: {  	s30 =	simm.s32 $0x770;
	s31 =	simm.s32 $0x14480  }
0x5d: {  	[tilespmem:s31], [sflag:$0x1] =	stream.indirect.gather [hbm4b:s4+s9], $0x20, s30, s9, $0xb8;
	v63 =	vld [tilespmem:$0x0]  }
0x5e: {  	s10 =	simm.s32 $0x7A8;
	s11 =	simm.s32 $0x14AC0  }
0x5f: {  	[tilespmem:s11], [sflag:$0x1] =	stream.indirect.gather [hbm4b:s4+s9], $0x20, s10, s9, $0xb8;
	v63 =	vld [tilespmem:$0x0]  }
0x60: {  	s30 =	simm.s32 $0x7E0;
	s31 =	simm.s32 $0x15100  }
0x61: {  	[tilespmem:s31], [sflag:$0x1] =	stream.indirect.gather [hbm4b:s4+s9], $0x20, s30, s9, $0xb8;
	v63 =	vld [tilespmem:$0x0]  }
0x62: {  	s10 =	simm.s32 $0x818;
	s11 =	simm.s32 $0x15740  }
0x63: {  	[tilespmem:s11], [sflag:$0x1] =	stream.indirect.gather [hbm4b:s4+s9], $0x20, s10, s9, $0xb8;
	v63 =	vld [tilespmem:$0x0]  }
0x64: {  	s30 =	simm.s32 $0x850;
	s31 =	simm.s32 $0x15D80  }
0x65: {  	[tilespmem:s31], [sflag:$0x1] =	stream.indirect.gather [hbm4b:s4+s9], $0x20, s30, s9, $0xb8;
	v63 =	vld [tilespmem:$0x0]  }
0x66: {  	s10 =	simm.s32 $0x888;
	s11 =	simm.s32 $0x163C0  }
0x67: {  	[tilespmem:s11], [sflag:$0x1] =	stream.indirect.gather [hbm4b:s4+s9], $0x20, s10, s9, $0xb8;
	v63 =	vld [tilespmem:$0x0]  }
0x68: {  	s30 =	simm.s32 $0x8C0;
	s31 =	simm.s32 $0x16A00  }
0x69: {  	[tilespmem:s31], [sflag:$0x1] =	stream.indirect.gather [hbm4b:s4+s9], $0x20, s30, s9, $0xb8;
	v63 =	vld [tilespmem:$0x0]  }
0x6a: {  	s10 =	simm.s32 $0x8F8;
	s11 =	simm.s32 $0x17040  }
0x6b: {  	[tilespmem:s11], [sflag:$0x1] =	stream.indirect.gather [hbm4b:s4+s9], $0x20, s10, s9, $0xb8;
	v63 =	vld [tilespmem:$0x0]  }
0x6c: {  	s30 =	simm.s32 $0x930;
	s31 =	simm.s32 $0x17680  }
0x6d: {  	[tilespmem:s31], [sflag:$0x1] =	stream.indirect.gather [hbm4b:s4+s9], $0x20, s30, s9, $0xb8;
	v63 =	vld [tilespmem:$0x0]  }
0x6e: {  	s10 =	simm.s32 $0x968;
	s11 =	simm.s32 $0x17CC0  }
0x6f: {  	[tilespmem:s11], [sflag:$0x1] =	stream.indirect.gather [hbm4b:s4+s9], $0x20, s10, s9, $0xb8;
	v63 =	vld [tilespmem:$0x0]  }
0x70: {  	s30 =	simm.s32 $0x9A0;
	s31 =	simm.s32 $0x18300  }
0x71: {  	[tilespmem:s31], [sflag:$0x1] =	stream.indirect.gather [hbm4b:s4+s9], $0x20, s30, s9, $0xb8;
	v63 =	vld [tilespmem:$0x0]  }
0x72: {  	s10 =	simm.s32 $0x9D8;
	s11 =	simm.s32 $0x18940  }
0x73: {  	[tilespmem:s11], [sflag:$0x1] =	stream.indirect.gather [hbm4b:s4+s9], $0x20, s10, s9, $0xb8;
	v63 =	vld [tilespmem:$0x0]  }
0x74: {  	s30 =	simm.s32 $0xA10;
	s31 =	simm.s32 $0x18F80  }
0x75: {  	[tilespmem:s31], [sflag:$0x1] =	stream.indirect.gather [hbm4b:s4+s9], $0x20, s30, s9, $0xb8;
	v63 =	vld [tilespmem:$0x0]  }
0x76: {  	s10 =	simm.s32 $0xA48;
	s11 =	simm.s32 $0x195C0  }
0x77: {  	[tilespmem:s11], [sflag:$0x1] =	stream.indirect.gather [hbm4b:s4+s9], $0x20, s10, s9, $0xb8;
	v63 =	vld [tilespmem:$0x0]  }
0x78: {  	s30 =	simm.s32 $0xA80;
	s31 =	simm.s32 $0x19C00  }
0x79: {  	[tilespmem:s31], [sflag:$0x1] =	stream.indirect.gather [hbm4b:s4+s9], $0x20, s30, s9, $0xb8;
	v63 =	vld [tilespmem:$0x0]  }
0x7a: {  	s10 =	simm.s32 $0xAB8;
	s11 =	simm.s32 $0x1A240  }
0x7b: {  	[tilespmem:s11], [sflag:$0x1] =	stream.indirect.gather [hbm4b:s4+s9], $0x20, s10, s9, $0xb8;
	v63 =	vld [tilespmem:$0x0]  }
0x7c: {  	s30 =	simm.s32 $0xAF0;
	s31 =	simm.s32 $0x1A880  }
0x7d: {  	[tilespmem:s31], [sflag:$0x1] =	stream.indirect.gather [hbm4b:s4+s9], $0x20, s30, s9, $0xb8;
	v63 =	vld [tilespmem:$0x0]  }
0x7e: {  	s10 =	simm.s32 $0xB28;
	s11 =	simm.s32 $0x1AEC0  }
0x7f: {  	[tilespmem:s11], [sflag:$0x1] =	stream.indirect.gather [hbm4b:s4+s9], $0x20, s10, s9, $0xb8;
	v63 =	vld [tilespmem:$0x0]  }
0x80: {  	s30 =	simm.s32 $0xB60;
	s31 =	simm.s32 $0x1B500  }
0x81: {  	[tilespmem:s31], [sflag:$0x1] =	stream.indirect.gather [hbm4b:s4+s9], $0x20, s30, s9, $0xb8;
	v63 =	vld [tilespmem:$0x0]  }
0x82: {  	s10 =	simm.s32 $0xB98;
	s11 =	simm.s32 $0x1BB40  }
0x83: {  	[tilespmem:s11], [sflag:$0x1] =	stream.indirect.gather [hbm4b:s4+s9], $0x20, s10, s9, $0xb8;
	v63 =	vld [tilespmem:$0x0]  }
0x84: {  	s30 =	simm.s32 $0xBD0;
	s31 =	simm.s32 $0x1C180  }
0x85: {  	[tilespmem:s31], [sflag:$0x1] =	stream.indirect.gather [hbm4b:s4+s9], $0x20, s30, s9, $0xb8;
	v63 =	vld [tilespmem:$0x0]  }
0x86: {  	s10 =	simm.s32 $0xC08;
	s11 =	simm.s32 $0x1C7C0  }
0x87: {  	[tilespmem:s11], [sflag:$0x1] =	stream.indirect.gather [hbm4b:s4+s9], $0x20, s10, s9, $0xb8;
	v63 =	vld [tilespmem:$0x0]  }
0x88: {  	s30 =	simm.s32 $0xC40;
	s31 =	simm.s32 $0x1CE00  }
0x89: {  	[tilespmem:s31], [sflag:$0x1] =	stream.indirect.gather [hbm4b:s4+s9], $0x20, s30, s9, $0xb8;
	v63 =	vld [tilespmem:$0x0]  }
0x8a: {  	s10 =	simm.s32 $0xC78;
	s11 =	simm.s32 $0x1D440  }
0x8b: {  	[tilespmem:s11], [sflag:$0x1] =	stream.indirect.gather [hbm4b:s4+s9], $0x20, s10, s9, $0xb8;
	v63 =	vld [tilespmem:$0x0]  }
0x8c: {  	s30 =	simm.s32 $0xCB0;
	s31 =	simm.s32 $0x1DA80  }
0x8d: {  	[tilespmem:s31], [sflag:$0x1] =	stream.indirect.gather [hbm4b:s4+s9], $0x20, s30, s9, $0xb8;
	v63 =	vld [tilespmem:$0x0]  }
0x8e: {  	_ = 	snop  }
0x8f: {  	[tilespmem:s13], [sflag:$0x1] =	stream.indirect.gather [hbm4b:s4+s9], $0x20, s12, s9, $0xb8;
	v63 =	vld [tilespmem:$0x0]  }
0x90: {  	_ = 	snop  }
0x91: {  	[tilespmem:s15], [sflag:$0x1] =	stream.indirect.gather [hbm4b:s4+s9], $0x20, s14, s9, $0xb8;
	v63 =	vld [tilespmem:$0x0]  }
0x92: {  	_ = 	snop  }
0x93: {  	[tilespmem:s17], [sflag:$0x1] =	stream.indirect.gather [hbm4b:s4+s9], $0x20, s16, s9, $0xb8;
	v63 =	vld [tilespmem:$0x0]  }
.Ltmp2:
0x94: {  	_ = 	snop;
	(pc) =	sbr.rel .LBB2_2-.Ltmp2, $4  }
0x95: {  	_ = 	snop  }
0x96: {  	[tilespmem:s19], [sflag:$0x1] =	stream.indirect.gather [hbm4b:s4+s9], $0x20, s18, s9, $0xb8;
	v63 =	vld [tilespmem:$0x0]  }
0x97: {  	s28 =	simm.s32 $0xE00;
	s29 =	simm.s32 $0x0  }
0x98: {  	[tilespmem:s21], [sflag:$0x1] =	stream.indirect.gather [hbm4b:s4+s9], $0x20, s20, s9, $0xb8;
	v63 =	vld [tilespmem:$0x0]  }
.LBB2_7:
0x99: {  	s29 =	sadd.s32 $0x1, s29  }
0x9a: {  	p0 =	sne.s32 s29, $0x10  }
.Ltmp3:
0x9b: {  	_ = 	snop;
	(pc) =	sbr.rel @!p0 .LBB2_8-.Ltmp3, $2  }
0x9c: {  	_ =	sdelay $0x2  }
0x9d: {  	s28 =	sadd.s32 $0x700, s28  }
.LBB2_2:
0x9e: {  	s0 =	sshll.u32 s29, $0x5  }
0x9f: {  	_ =	swait.ge [sflag:s22], $0xC800;
	s0 =	sadd.s32 s3, s0  }
0xa0: {  	s1 =	sand.u32 $0x1, s29;
	s10 =	simm.s32 $0x13800;
	s0 =	smul.u32 $0x380, s0  }
0xa1: {  	[sflag:s22] =	ssyncset.done $0x0;
	p0 =	seq.s32 s1, $0x1;
	s1 =	simm.s32 $0x380  }
0xa2: {  	[sflag:s22] =	ssyncadd.s32 $0xFFFF3800;
	s10 =	simm.s32 @!p0 $0x7000;
	s31 =	sadd.s32 s5, s0  }
0xa3: {  	s30 =	smov.u32 s10;
	s0 =	sadd.s32 $0x640, s10;
	s11 =	sadd.s32 $0x0, s31  }
.LBB2_3:
0xa4: {  	[hbm4b:s11+s23] =	stream.strided.scatter [tilespmem:s30], [sflag:$0x2], $0x640, s24, s23, $0x38;
	v63 =	vld [tilespmem:$0x0]  }
0xa5: {  	s11 =	smov.u32 s1;
	s30 =	smov.u32 s0;
	p0 =	sne.s32 s1, $0x6C80  }
.Ltmp4:
0xa6: {  	s1 =	sadd.s32 $0x380, s1;
	(pc) =	sbr.rel @p0 .LBB2_3-.Ltmp4, $2  }
0xa7: {  	_ =	sdelay $0x2  }
0xa8: {  	s0 =	sadd.s32 $0x640, s0;
	s11 =	sadd.s32 s11, s31  }
0xa9: {  	p0 =	sgt.u32 s29, $0xD  }
.Ltmp5:
0xaa: {  	_ = 	snop;
	(pc) =	sbr.rel @p0 .LBB2_7-.Ltmp5, $2  }
0xab: {  	_ =	sdelay $0x2  }
0xac: {  	[hbm4b:s11+s23] =	stream.strided.scatter [tilespmem:s30], [sflag:$0x2], $0x640, s24, s23, $0x38;
	v63 =	vld [tilespmem:$0x0]  }
0xad: {  	_ =	swait.ge [sflag:s25], $0xC800  }
0xae: {  	[sflag:s25] =	ssyncset.done $0x0  }
0xaf: {  	s0 =	sadd.s32 $0x0, s28;
	[sflag:s25] =	ssyncadd.s32 $0xFFFF3800  }
0xb0: {  	[tilespmem:s10], [sflag:$0x1] =	stream.indirect.gather [hbm4b:s4+s9], $0x20, s0, s9, $0xb8;
	v63 =	vld [tilespmem:$0x0]  }
0xb1: {  	s0 =	simm.s32 $0xE0  }
.LBB2_6:
0xb2: {  	p0 =	sne.s32 s0, $0x1B20  }
.Ltmp6:
0xb3: {  	_ = 	snop;
	(pc) =	sbr.rel @p0 .LBB2_6-.Ltmp6, $4  }
0xb4: {  	_ = 	snop  }
0xb5: {  	s1 =	sshra.s32 s0, $0x2;
	s0 =	sadd.s32 $0xE0, s0  }
0xb6: {  	s10 =	sadd.s32 $0x640, s10;
	s1 =	sadd.s32 s1, s28  }
0xb7: {  	[tilespmem:s10], [sflag:$0x1] =	stream.indirect.gather [hbm4b:s4+s9], $0x20, s1, s9, $0xb8;
	v63 =	vld [tilespmem:$0x0]  }
.Ltmp7:
0xb8: {  	_ = 	snop;
	(pc) =	sbr.rel .LBB2_7-.Ltmp7, $1  }
0xb9: {  	_ =	sdelay $0x3  }
.LBB2_9:
0xba: {  	_ =	sfence.sel $0x180000  }
0xbb: {  	[bflag:$0x0] =	sbarrier.arrive $0xFFFF  }
0xbc: {  	_ =	strace $0x90000047  }
0xbd: {  	s0 =	stileid.u32;
	[bflag:$0x2] =	sbarrier.arrive $0xFFFF  }
0xbe: {  	p0 =	sne.s32 s0, $0x0;
	s0 =	rddreg [dreg:$0x2]  }
0xbf: {  	s0 =	sadd.s32 @!p0 $0x100000, s0  }
0xc0: {  	[sflag:s0] =	ssyncadd.tile.s32 @!p0 $0x1;
	_ =	shalt  }
.Lfunc_end2:
_tile_overlayer_lowered:
.L_overlay_start_2:
0xc1: {  	(tag) =	ssettag $0x2  }
0xc2: {  	s0 =	rddreg [dreg:$0x0];
	s2 =	stileid.u32  }
0xc3: {  	s1 =	rddreg [dreg:$0x1];
	p0 =	sne.s32 s2, $0x0  }
0xc4: {  	s3 =	rddreg [dreg:$0x2];
	[bflag:$0x3] =	sbarrier.arrive $0xFFFF;
	s2 =	simm.s32 @!p0 $0x1C03  }
0xc5: {  	[timem:s3], [sflag:s2] =	dma.local @!p0 [hbm:s0], s1  }
0xc6: {  	s0 =	simm.s32 @!p0 $0x3  }
0xc7: {  	_ =	swait.ge @!p0 [sflag:s0], s1  }
0xc8: {  	s1 =	ssub.s32 @!p0 $0x0, s1;
	[sflag:s0] =	ssyncset.done @!p0 $0x0  }
0xc9: {  	[sflag:s0] =	ssyncadd.s32 @!p0 s1  }
0xca: {  	[bflag:$0x3] =	sbarrier.arrive $0xFFFF  }
0xcb: {  	_ =	shalt  }

// kernel: sparse-core-data-format-call.cloned.1.call-start
scs
called_computation_lowered:
.L_overlay_start_0:
0x0: {  	s2 =	sld [smem:$0x3FD9]  }
0x1: {  	s3 =	sld [smem:$0x3FFE];
	_ =	sdelay $0x1  }
0x2: {  	s1 =	srdreg.scid  }
0x3: {  	s0 =	sand.u32 $0x1, s1  }
0x4: {  	s18 =	sshll.u32 s0, $0xA;
	s2 =	sadd.s32 s3, s2  }
0x5: {  	s2 =	sadd.s32 s2, s18  }
0x6: {  	[smem:$0x3FC6] =	sst s2  }
0x7: {  	_ = 	snop  }
0x8: {  	s2 =	sld [smem:$0x3FD0];
	(tm) =	ssettm $0x1  }
0x9: {  	s19 =	sld [smem:$0x3FFB];
	_ =	sdelay $0x3  }
0xa: {  	_ =	strace s19  }
0xb: {  	s3 =	sld [smem:$0x3FFC];
	_ =	sdelay $0x3  }
0xc: {  	_ =	strace s3  }
0xd: {  	s3 =	sld [smem:$0x3FFD];
	_ =	sdelay $0x3  }
0xe: {  	_ =	strace s3  }
0xf: {  	_ =	strace $0x8FFFFFFF  }
0x10: {  	s20 =	sld [smem:$0x3FDB];
	_ =	sdelay $0x1  }
0x11: {  	s4 =	simm.s32 $_scs_section_size  }
0x12: {  	s5 =	simm.s32 $_size__tile_overlayer_lowered;
	s6 =	simm.s32 $_tile_overlayer_lowered  }
0x13: {  	s23 =	simm.s32 $0x1BFF;
	s22 =	sshll.u32 s6, $0x1;
	s3 =	sadd.s32 s4, s20  }
0x14: {  	s7 =	simm.s32 $0x0;
	s21 =	sshll.u32 s5, $0x1;
	s5 =	sadd.s32 s22, s3  }
0x15: {  	[timem:s7], [sflag:s23] =	dma.local [hbm:s5], s21  }
0x16: {  	_ =	swait.ge [sflag:s23], s21  }
0x17: {  	s4 =	ssub.s32 $0x0, s21;
	[sflag:s23] =	ssyncset.done $0x0  }
0x18: {  	[sflag:s23] =	ssyncadd.s32 s4;
	_ =	sdelay $0x1  }
0x19: {  	s24 =	simm.s32 $0x1B8B  }
0x1a: {  	_ =	swait.ge [sflag:s24], $0x1  }
0x1b: {  	[sflag:s24] =	ssyncset.done $0x0  }
0x1c: {  	s26 =	simm.s32 $0x1B8E;
	s25 =	sld [smem:$0x3FFE];
	[sflag:s24] =	ssyncadd.s32 $0xFFFFFFFF  }
0x1d: {  	s27 =	simm.s32 $execute0_lowered;
	[smem:$0x3FD2] =	sst s26  }
0x1e: {  	s5 =	sshll.u32 s27, $0x1;
	_ =	strace $0x80000049;
	[dreg:$0x1] =	wrdreg $0xFFFFFFFF  }
0x1f: {  	s28 =	simm.s32 $_size_execute0_lowered;
	s3 =	sadd.s32 s3, s5;
	[dreg:$0x0] =	wrdreg $0x0  }
0x20: {  	s5 =	sshll.u32 s28, $0x1;
	[dreg:$0x2] =	wrdreg s3  }
0x21: {  	[dreg:$0x3] =	wrdreg s5  }
0x22: {  	[dreg:$0x4] =	wrdreg $0xC0  }
0x23: {  	_ =	task [dreg:s7], $0x5FFFF  }
0x24: {  	[dreg:$0x1] =	wrdreg $0xFFFFFFFF  }
0x25: {  	[dreg:$0x0] =	wrdreg $0x60  }
0x26: {  	[dreg:$0x2] =	wrdreg s25  }
0x27: {  	[dreg:$0x3] =	wrdreg s2  }
0x28: {  	[dreg:$0x4] =	wrdreg $0x9  }
0x29: {  	_ =	task.clear_ibuf [dreg:s7], $0x5FFFF;
	_ =	strace $0x90000049  }
0x2a: {  	s29 =	simm.s32 $0x9;
	_ =	strace $0x8000004B  }
0x2b: {  	_ =	swait.ge [sflag:s29], $0x1  }
0x2c: {  	[sflag:s29] =	ssyncadd.s32 $0xFFFFFFFF  }
0x2d: {  	_ =	strace $0x9000004B  }
0x2e: {  	_ =	sfence  }
0x2f: {  	s30 =	sld [smem:$0x0];
	_ =	sdelay $0x2  }
0x30: {  	s31 =	sshll.u32 s1, $0xD;
	s1 =	sshrl.u32 s1, $0x2  }
0x31: {  	s3 =	sand.u32 $0x4000, s31;
	s1 =	sadd.s32 s1, s30  }
0x32: {  	s0 =	sor.u32 s3, s0;
	s1 =	sshll.u32 s1, $0x11  }
0x33: {  	s0 =	sor.u32 s1, s0  }
0x34: {  	s0 =	sadd.s32 $0x8F2B, s0  }
0x35: {  	[sflag:s0] =	ssyncadd.remote.s32 $0x1  }
0x36: {  	_ =	sfence.sel $0xFFFF  }
0x37: {  	[dreg:$0x0] =	wrdreg $0xFFFFFFFF;
	(pc) =	sbr.abs _section_cstart, $3  }
0x38: {  	[dreg:$0x1] =	wrdreg $0xFFFFFFFF  }
0x39: {  	_ =	task.clear_ibuf [dreg:s7], $0x2FFFF;
	_ =	strace $0x9FFFFFFF  }
0x3a: {  	(tm) =	ssettm $0x7FFFFFFF  }
0x3b: {  	_ =	shalt  }
tec
execute0_lowered:
.L_overlay_start_1:
0x0: {  	(tag) =	ssettag $0x1  }
0x1: {  	s0 =	srdreg.scid  }
0x2: {  	s1 =	sshll.u32 s0, $0x4  }
0x3: {  	s0 =	stileid.u32;
	s1 =	sand.u32 $0x10, s1  }
0x4: {  	s1 =	sor.u32 s0, s1  }
0x5: {  	s6 =	rddreg [dreg:$0x0];
	s4 =	simm.s32 $0x1;
	s2 =	sshll.u32 s1, $0x7  }
0x6: {  	s7 =	simm.s32 $0x2;
	s12 =	simm.s32 $0x0;
	s1 =	ssub.s32 $0x4000, s2  }
0x7: {  	s8 =	simm.s32 $0x20000;
	s13 =	simm.s32 $0x0;
	s3 =	sand.u32 $0xF80, s1  }
0x8: {  	s9 =	simm.s32 $0x0;
	s5 =	sshrl.u32 s1, $0xC;
	p0 =	sne.s32 s3, $0x0  }
.Ltmp0:
0x9: {  	s1 =	rddreg [dreg:$0x2];
	s4 =	simm.s32 @!p0 $0x0;
	(pc) =	sbr.rel .LBB1_1-.Ltmp0, $4  }
0xa: {  	s11 =	simm.s32 $0x0;
	s3 =	rddreg [dreg:$0x1];
	s5 =	sadd.s32 s4, s5  }
0xb: {  	_ =	strace $0x8000004A;
	s4 =	simm.s32 $0x1;
	s5 =	smul.u32 $0x32, s5  }
0xc: {  	s6 =	sadd.s32 $0xA00, s6;
	s10 =	smov.u32 s2;
	[sflag:s4] =	ssyncpa.u1 $0x0  }
0xd: {  	p0 =	por $0x0, $0x0;
	[sflag:s7] =	ssyncpa.u1 $0x0;
	s7 =	sor.u32 $0x1, s5  }
.LBB1_4:
0xe: {  	s16 =	sshll.u32 s13, $0x3;
	s17 =	sand.u32 $0x78, s13  }
0xf: {  	s30 =	sand.u32 $0xF800, s13;
	s12 =	sshll.u32 s12, $0x10;
	s16 =	sand.u32 $0x3C00, s16  }
0x10: {  	s31 =	sand.u32 $0x7, s13;
	s16 =	sor.u32 s17, s16;
	s17 =	sadd.s32 s3, s30  }
0x11: {  	s13 =	sshll.u32 s31, $0x12;
	s16 =	sshrl.u32 s16, $0x3;
	s12 =	sadd.s32 s12, s17  }
0x12: {  	[tilespmem:s15+$0x0 ss:$0x81] =	vst.msk $0xffff, v0;
	s13 =	sor.u32 $0x400, s13;
	s12 =	sadd.s32 s16, s12  }
0x13: {  	[hbm4b:s12+s13] =	stream.strided.scatter [tilespmem:s14], [sflag:$0x2], $0x1000, s8, s13, $0x20;
	[tilespmem:$0x4040] =	vst v63  }
.LBB1_5:
0x14: {  	s14 =	sadd.s32 $0x1, s9  }
0x15: {  	s12 =	sadd.s32 $0x1000, s10;
	s16 =	smov.u32 s10;
	p2 =	sgt.s32 s14, $0x31  }
0x16: {  	s16 =	smov.u32 @p2 s12  }
0x17: {  	s14 =	simm.s32 @p2 $0x0;
	p2 =	sgt.s32 s16, $0x3FFF  }
0x18: {  	s16 =	smov.u32 @p2 s2;
	p2 =	sne.s32 s11, s7  }
.Ltmp1:
0x19: {  	p1 =	slt.u32 s11, $0x2;
	(pc) =	sbr.rel @!p2 .LBB1_6-.Ltmp1, $4  }
0x1a: {  	s15 =	simm.s32 @!p1 $0x2  }
0x1b: {  	s13 =	smov.u32 s10;
	p0 =	por !p0, !p0;
	_ =	swait.ge @!p1 [sflag:s15], $0x1000  }
0x1c: {  	s12 =	smov.u32 s9;
	[sflag:s15] =	ssyncset.done @!p1 $0x0;
	s9 =	smov.u32 s14  }
0x1d: {  	s11 =	sadd.s32 $0x1, s11;
	[sflag:s15] =	ssyncadd.s32 @!p1 $0xFFFFF000;
	s10 =	smov.u32 s16  }
.LBB1_1:
0x1e: {  	p1 =	sge.u32 s11, s5  }
0x1f: {  	s14 =	sand.u32 @!p1 $0x1FFFFFF, s9  }
0x20: {  	s15 =	smulhi.u32 @!p1 $0x4924925, s14;
	_ =	sdelay $0x1  }
0x21: {  	s15 =	smul.u32 @!p1 $0x38, s15  }
0x22: {  	s16 =	sxor.u32 @!p1 $0xFFFFFFFF, s11;
	s17 =	smul.u32 @!p1 $0x380, s10  }
0x23: {  	s31 =	sadd.s32 $0xFFFFFFFF, s11;
	s16 =	sshll.u32 @!p1 s16, $0xC;
	s14 =	ssub.s32 @!p1 s14, s15  }
0x24: {  	s15 =	sand.u32 @!p1 $0x1000, s16;
	s16 =	sadd.s32 @!p1 s6, s17;
	s14 =	sshll.u32 @!p1 s14, $0x4  }
0x25: {  	s17 =	simm.s32 @!p1 $0x1C00;
	s14 =	sadd.s32 @!p1 s14, s16;
	s16 =	simm.s32 @!p1 $0x20  }
0x26: {  	[tilespmem:s15], [sflag:$0x1] =	stream.strided.gather @!p1 [hbm4b:s14+s16], $0x1000, s17, s16, $0x38;
	[tilespmem:$0x4040] =	vst v63  }
0x27: {  	p1 =	sge.u32 s31, s5  }
.Ltmp2:
0x28: {  	_ = 	snop;
	(pc) =	sbr.rel @p1 .LBB1_5-.Ltmp2, $1  }
0x29: {  	_ =	sdelay $0x3  }
0x2a: {  	s14 =	simm.s32 $0x1  }
0x2b: {  	_ =	swait.ge [sflag:s4], $0x1000;
	s14 =	simm.s32 @!p0 $0x0  }
0x2c: {  	[sflag:s4] =	ssyncset.done $0x0;
	s15 =	sshll.u32 s14, $0xC  }
0x2d: {  	[sflag:s4] =	ssyncadd.s32 $0xFFFFF000;
	s18 =	sor.u32 $0x10, s15  }
0x2e: {  	s14 =	smul.u32 $0x4080, s14;
	v1 =	vld [tilespmem:s18+$0x0]  }
0x2f: {  	s30 =	sand.u32 $0x1, s11;
	v0 =	vld [tilespmem:s18+$0xFFFFFFF0]  }
0x30: {  	s15 =	smul.u32 $0x4080, s30;
	s14 =	sshrl.u32 s14, $0x2  }
0x31: {  	s16 =	sor.u32 $0x2000, s14  }
0x32: {  	s31 =	sshrl.u32 s15, $0x2;
	s15 =	sadd.s32 $0x0, s16  }
0x33: {  	s17 =	simm.s32 $0x4;
	s18 =	sadd.s32 $0x20, s18;
	s14 =	sor.u32 $0x2000, s31;
	[tilespmem:s15+$0x810 ss:$0x81] =	vst.msk $0xffff, v1  }
.LBB1_3:
0x34: {  	v1 =	vld [tilespmem:s18+$0x0];
	p1 =	sne.s32 s17, $0x1FC;
	[tilespmem:s15+$0x0 ss:$0x81] =	vst.msk $0xffff, v0;
	s15 =	smov.u32 s17;
	s17 =	sadd.s32 $0x4, s17  }
.Ltmp3:
0x35: {  	v0 =	vld [tilespmem:s18+$0xFFFFFFF0];
	(pc) =	sbr.rel @p1 .LBB1_3-.Ltmp3, $4  }
0x36: {  	_ = 	snop  }
0x37: {  	s15 =	sshra.s32 s15, $0x2  }
0x38: {  	s15 =	sadd.s32 s15, s16  }
0x39: {  	s18 =	sadd.s32 $0x20, s18;
	[tilespmem:s15+$0x810 ss:$0x81] =	vst.msk $0xffff, v1  }
.Ltmp4:
0x3a: {  	_ = 	snop;
	(pc) =	sbr.rel .LBB1_4-.Ltmp4, $1  }
0x3b: {  	_ =	sdelay $0x3  }
.LBB1_6:
0x3c: {  	_ =	sfence.sel $0x180000  }
0x3d: {  	s2 =	simm.s32 $0x1;
	[bflag:$0x0] =	sbarrier.arrive $0xFFFF  }
0x3e: {  	s31 =	simm.s32 $0x2;
	[sflag:s2] =	ssyncpa.u1 $0x1  }
0x3f: {  	[sflag:s31] =	ssyncpa.u1 $0x1  }
0x40: {  	p0 =	sne.s32 s0, $0x0;
	_ =	strace $0x9000004A  }
0x41: {  	s0 =	sadd.s32 @!p0 $0x100000, s1;
	[bflag:$0x2] =	sbarrier.arrive $0xFFFF  }
0x42: {  	[sflag:s0] =	ssyncadd.tile.s32 @!p0 $0x1;
	_ =	shalt  }
.Lfunc_end1:
_tile_overlayer_lowered:
.L_overlay_start_2:
0x43: {  	(tag) =	ssettag $0x2  }
0x44: {  	s0 =	rddreg [dreg:$0x0];
	s2 =	stileid.u32  }
0x45: {  	s1 =	rddreg [dreg:$0x1];
	p0 =	sne.s32 s2, $0x0  }
0x46: {  	s3 =	rddreg [dreg:$0x2];
	[bflag:$0x3] =	sbarrier.arrive $0xFFFF;
	s2 =	simm.s32 @!p0 $0x1C01  }
0x47: {  	[timem:s3], [sflag:s2] =	dma.local @!p0 [hbm:s0], s1  }
0x48: {  	s0 =	simm.s32 @!p0 $0x1  }
0x49: {  	_ =	swait.ge @!p0 [sflag:s0], s1  }
0x4a: {  	s1 =	ssub.s32 @!p0 $0x0, s1;
	[sflag:s0] =	ssyncset.done @!p0 $0x0  }
0x4b: {  	[sflag:s0] =	ssyncadd.s32 @!p0 s1  }
0x4c: {  	[bflag:$0x3] =	sbarrier.arrive $0xFFFF  }
0x4d: {  	_ =	shalt  }

</sc_bundles>
